<compile_context>
chip_gen: v7x
topology: tpu7x:2x2x1
jax: 0.10.2.dev20260603
libtpu: 0.0.44.dev20260713+nightly
codegen_flags: <defaults>
</compile_context>

<pallas_src>
import dataclasses

import jax
import jax.numpy as jnp
from jax import lax
from jax.experimental import pallas as pl
from jax.experimental.pallas import tpu as pltpu
from jax.experimental.pallas import tpu_sc as plsc

_LANES = 16
_NUM_WORKERS = 32
_PADK = 1024
_UNROLL = 1
_NBUCKET = 128
_SHIFT = 20
_BUCKET_OFF = 961
_ASCENT = (16, 8, 4, 2, 1)


def _sigma_to_t_kernel(q_hbm, tab_hbm, out_hbm, ftab_v, lut_v,
                       q_v, o_v, sem_f, sem_q):
    nq = q_hbm.shape[0]
    k_levels = tab_hbm.shape[0]
    per_worker = nq // _NUM_WORKERS
    wid = lax.axis_index("s") * 2 + lax.axis_index("c")
    base = wid * per_worker

    cp_f = pltpu.async_copy(tab_hbm, ftab_v.at[pl.ds(0, k_levels)], sem_f)
    cp_q = pltpu.async_copy(q_hbm.at[pl.ds(base, per_worker)], q_v, sem_q)

    def bucket_of(vals_f32):
        b = lax.shift_right_arithmetic(
            lax.bitcast_convert_type(vals_f32, jnp.int32), _SHIFT)
        b = b - _BUCKET_OFF
        return jnp.clip(b, 0, _NBUCKET - 1)

    sent = jnp.full((_LANES,), -1.0, jnp.float32)
    ftab_v[pl.ds(k_levels, _LANES)] = sent
    ftab_v[pl.ds(_PADK - _LANES, _LANES)] = sent
    zeros16 = jnp.zeros((_LANES,), jnp.int32)

    @plsc.parallel_loop(0, _NBUCKET, step=_LANES)
    def _(i):
        lut_v[pl.ds(i, _LANES)] = zeros16

    cp_f.wait()

    ones16 = jnp.ones((_LANES,), jnp.int32)
    full_chunks = ((k_levels - 1) // _LANES) * _LANES

    @plsc.parallel_loop(0, full_chunks, step=_LANES)
    def _(i):
        bb = bucket_of(ftab_v[pl.ds(i, _LANES)])
        plsc.addupdate_scatter(lut_v, [bb], ones16)

    tail = (k_levels - 1) - full_chunks
    if tail:
        bb = bucket_of(ftab_v[pl.ds(full_chunks, _LANES)])
        tmask = lax.iota(jnp.int32, _LANES) < tail
        plsc.addupdate_scatter(lut_v, [bb], ones16, mask=tmask)

    def _suffix_body(t, carry):
        i = _NBUCKET - _LANES - t * _LANES
        h = lut_v[pl.ds(i, _LANES)]
        cs = plsc.cumsum(lax.rev(h, (0,))) + carry
        new_carry = lax.squeeze(lax.slice(cs, (_LANES - 1,), (_LANES,)), (0,))
        lut_v[pl.ds(i, _LANES)] = jnp.clip(lax.rev(cs, (0,)) - 1,
                                           0, k_levels - 2)
        return new_carry

    lax.fori_loop(0, _NBUCKET // _LANES, _suffix_body, jnp.int32(0))

    cp_q.wait()

    def _query_block(lo):
        @plsc.parallel_loop(lo, lo + per_worker, step=_LANES * _UNROLL)
        def _(i):
            qs = [q_v[pl.ds(i + u * _LANES, _LANES)] for u in range(_UNROLL)]
            js = [plsc.load_gather(
                      lut_v,
                      [jnp.clip(lax.shift_right_arithmetic(
                           lax.bitcast_convert_type(qs[u], jnp.int32), _SHIFT)
                           - (_BUCKET_OFF - 1), 0, _NBUCKET - 1)])
                  for u in range(_UNROLL)]
            for step in _ASCENT:
                for u in range(_UNROLL):
                    cand = js[u] + step
                    val = plsc.load_gather(ftab_v, [cand])
                    js[u] = jnp.where(val >= qs[u], cand, js[u])
            for u in range(_UNROLL):
                j, q = jnp.minimum(js[u], k_levels - 2), qs[u]
                low = plsc.load_gather(ftab_v, [j])
                high = plsc.load_gather(ftab_v, [j + 1])
                w = jnp.clip((low - q) / (low - high), 0.0, 1.0)
                jf = j.astype(jnp.float32)
                o_v[pl.ds(i + u * _LANES, _LANES)] = ((1.0 - w) * jf
                                                     + w * (jf + 1.0))

    _query_block(0)
    pltpu.sync_copy(o_v, out_hbm.at[pl.ds(base, per_worker)])


@jax.jit
def kernel(sigma, sigmas):
    nq = sigma.shape[0]
    per_worker = nq // _NUM_WORKERS

    mesh = plsc.VectorSubcoreMesh(core_axis_name="c", subcore_axis_name="s")
    cp = pltpu.CompilerParams()
    if "needs_layout_passes" in pltpu.CompilerParams.__dataclass_fields__:
        cp = dataclasses.replace(cp, needs_layout_passes=False)
    run = pl.kernel(
        _sigma_to_t_kernel,
        out_type=jax.ShapeDtypeStruct((nq,), jnp.float32),
        mesh=mesh,
        scratch_types=[
            pltpu.VMEM((_PADK,), jnp.float32),
            pltpu.VMEM((_NBUCKET,), jnp.int32),
            pltpu.VMEM((per_worker,), jnp.float32),
            pltpu.VMEM((per_worker,), jnp.float32),
            pltpu.SemaphoreType.DMA,
            pltpu.SemaphoreType.DMA,
        ],
        compiler_params=cp,
    )
    return run(sigma, sigmas).reshape(sigma.shape)

# --- scband reference (transcript-rebuilt; emitter-appended) ---
"""Pipeline reference for scband-discrete-schedule-44160853737531 (READ-ONLY COPY).

The authoritative reference and input builder live on the scoring server;
editing this copy changes nothing except your own understanding.
"""

import jax, jax.numpy as jnp
import numpy as np

K_LEVELS = 1000
Q = 65536

def _karras_sigmas(n, sigma_min=0.01, sigma_max=80.0, rho=7.0):
    ramp = jnp.linspace(0.0, 1.0, n)
    min_inv_rho = sigma_min ** (1.0 / rho)
    max_inv_rho = sigma_max ** (1.0 / rho)
    sig = (max_inv_rho + ramp * (min_inv_rho - max_inv_rho)) ** rho
    return sig.astype(jnp.float32)  # strictly descending, like k-diffusion

def setup_inputs(seed: int = 0) -> dict:
    key = jax.random.key(seed)
    k1, _ = jax.random.split(key)
    sigma = jax.random.uniform(k1, (Q,), dtype=jnp.float32, minval=0.01, maxval=80.0)
    sigmas = _karras_sigmas(K_LEVELS)  # registered buffer in the torch module
    return {"sigma": sigma, "sigmas": sigmas}

def reference(sigma, sigmas):
    # DiscreteSchedule.sigma_to_t with quantize=False (2-NN lookup + linear interp)
    dists = jnp.abs(sigma[None, :] - sigmas[:, None])      # [K, Q]
    neg = -jnp.transpose(dists)                             # [Q, K]
    _, topk_idx = jax.lax.top_k(neg, 2)                     # 2 smallest dists -> [Q, 2]
    high_idx = jnp.max(topk_idx, axis=1)                    # [Q]
    low_idx = jnp.min(topk_idx, axis=1)                     # [Q]
    low = sigmas[low_idx]
    high = sigmas[high_idx]
    w = (low - sigma) / (low - high)
    w = jnp.clip(w, 0.0, 1.0)
    t = (1.0 - w) * low_idx.astype(jnp.float32) + w * high_idx.astype(jnp.float32)
    return t.reshape(sigma.shape)

if __name__ == "__main__":
    import jax
    _d = setup_inputs()
    print(jax.jit(kernel)(*tuple(_d.values())))

</pallas_src>

<mosaic_0001>
#map = affine_map<(d0, d1) -> (0)>
module attributes {stable_mosaic.version = 14 : i64} {
  func.func @_sigma_to_t_kernel(%arg0: i32, %arg1: i32, %arg2: memref<65536xf32, #tpu.memory_space<hbm>>, %arg3: memref<1000xf32, #tpu.memory_space<hbm>>, %arg4: memref<65536xf32, #tpu.memory_space<hbm>>, %arg5: memref<1024xf32, #tpu.memory_space<vmem>>, %arg6: memref<128xi32, #tpu.memory_space<vmem>>, %arg7: memref<2048xf32, #tpu.memory_space<vmem>>, %arg8: memref<2048xf32, #tpu.memory_space<vmem>>, %arg9: memref<!tpu.dma_semaphore, #tpu.memory_space<semaphore_mem>>, %arg10: memref<!tpu.dma_semaphore, #tpu.memory_space<semaphore_mem>>) attributes {dimension_semantics = [#tpu.dimension_semantics<core_parallel>, #tpu.dimension_semantics<subcore_parallel>], iteration_bounds = array<i64: 2, 16>, scalar_prefetch = 0 : i64, scratch_operands = 6 : i64, tpu.core_type = #tpu.core_type<sc_vector_subcore>, window_params = [{transform_indices = #map}, {transform_indices = #map}, {transform_indices = #map}]} {
    %mul3A = arith.constant 2 : i32
    %mul3A_0 = arith.muli %arg1, %mul3A : i32
    %add3A = arith.addi %mul3A_0, %arg0 : i32
    %mul3A_1 = arith.constant 2048 : i32
    %mul3A_2 = arith.muli %add3A, %mul3A_1 : i32
    %dma_start3A = arith.constant 0 : i32
    %dma_start3A_3 = tpu.memref_slice %arg5[%dma_start3A] : memref<1024xf32, #tpu.memory_space<vmem>> -> memref<1000xf32, #tpu.memory_space<vmem>>
    %dma_start3A_4 = arith.constant 0 : i32
    %dma_start3A_5 = tpu.memref_slice %arg5[%dma_start3A_4] : memref<1024xf32, #tpu.memory_space<vmem>> -> memref<1000xf32, #tpu.memory_space<vmem>>
    tpu.enqueue_dma source(%arg3 : memref<1000xf32, #tpu.memory_space<hbm>>) target(%dma_start3A_5 : memref<1000xf32, #tpu.memory_space<vmem>>) target_semaphore(%arg9 : memref<!tpu.dma_semaphore, #tpu.memory_space<semaphore_mem>>)
    %dma_start3A_6 = tpu.memref_slice %arg2[%mul3A_2] : memref<65536xf32, #tpu.memory_space<hbm>> -> memref<2048xf32, #tpu.memory_space<hbm>>
    %dma_start3A_7 = tpu.memref_slice %arg2[%mul3A_2] : memref<65536xf32, #tpu.memory_space<hbm>> -> memref<2048xf32, #tpu.memory_space<hbm>>
    tpu.enqueue_dma source(%dma_start3A_7 : memref<2048xf32, #tpu.memory_space<hbm>>) target(%arg7 : memref<2048xf32, #tpu.memory_space<vmem>>) target_semaphore(%arg10 : memref<!tpu.dma_semaphore, #tpu.memory_space<semaphore_mem>>)
    %broadcast_in_dim3A = arith.constant -1.000000e+00 : f32
    %broadcast_in_dim3A_8 = vector.broadcast %broadcast_in_dim3A : f32 to vector<16xf32>
    %swap3A = arith.constant 1000 : index
    %swap3A_9 = tpu.vector_load %arg5[%swap3A] {strides = array<i32>} : memref<1024xf32, #tpu.memory_space<vmem>>, vector<16xf32>,
    tpu.vector_store %arg5[%swap3A], %broadcast_in_dim3A_8 {strides = array<i32>} : memref<1024xf32, #tpu.memory_space<vmem>>, vector<16xf32>,
    %swap3A_10 = arith.constant 1008 : index
    %swap3A_11 = tpu.vector_load %arg5[%swap3A_10] {strides = array<i32>} : memref<1024xf32, #tpu.memory_space<vmem>>, vector<16xf32>,
    tpu.vector_store %arg5[%swap3A_10], %broadcast_in_dim3A_8 {strides = array<i32>} : memref<1024xf32, #tpu.memory_space<vmem>>, vector<16xf32>,
    %broadcast_in_dim3A_12 = arith.constant 0 : i32
    %broadcast_in_dim3A_13 = vector.broadcast %broadcast_in_dim3A_12 : i32 to vector<16xi32>
    %parallel_loop3A = arith.constant 0 : i32
    %parallel_loop3A_14 = arith.constant 128 : i32
    %parallel_loop3A_15 = arith.constant 16 : i32
    scf.for %parallel_loop3A_45 = %parallel_loop3A to %parallel_loop3A_14 step %parallel_loop3A_15  : i32 {
      %parallel_loop3A_46 = arith.index_cast %parallel_loop3A_45 : i32 to index
      %parallel_loop3A_47 = tpu.vector_load %arg6[%parallel_loop3A_46] {strides = array<i32>} : memref<128xi32, #tpu.memory_space<vmem>>, vector<16xi32>,
      tpu.vector_store %arg6[%parallel_loop3A_46], %broadcast_in_dim3A_13 {strides = array<i32>} : memref<128xi32, #tpu.memory_space<vmem>>, vector<16xi32>,
    } {sc.loop_unroll_factor = 1 : i64, sc.parallel_access}
    %dma_wait3A = arith.constant 0 : i32
    %dma_wait3A_16 = tpu.memref_slice %arg5[%dma_wait3A] : memref<1024xf32, #tpu.memory_space<vmem>> -> memref<1000xf32, #tpu.memory_space<vmem>>
    %dma_wait3A_17 = arith.constant 0 : i32
    %dma_wait3A_18 = tpu.memref_slice %arg5[%dma_wait3A_17] : memref<1024xf32, #tpu.memory_space<vmem>> -> memref<1000xf32, #tpu.memory_space<vmem>>
    tpu.wait_dma2 semaphore(%arg9 : memref<!tpu.dma_semaphore, #tpu.memory_space<semaphore_mem>>) src(%arg3 : memref<1000xf32, #tpu.memory_space<hbm>>) dst(%dma_wait3A_18 : memref<1000xf32, #tpu.memory_space<vmem>>)
    %broadcast_in_dim3A_19 = arith.constant 1 : i32
    %broadcast_in_dim3A_20 = vector.broadcast %broadcast_in_dim3A_19 : i32 to vector<16xi32>
    %parallel_loop3A_21 = arith.constant 0 : i32
    %parallel_loop3A_22 = arith.constant 992 : i32
    %parallel_loop3A_23 = arith.constant 16 : i32
    scf.for %parallel_loop3A_45 = %parallel_loop3A_21 to %parallel_loop3A_22 step %parallel_loop3A_23  : i32 {
      %parallel_loop3A_46 = arith.index_cast %parallel_loop3A_45 : i32 to index
      %parallel_loop3A_47 = tpu.vector_load %arg5[%parallel_loop3A_46] {strides = array<i32>} : memref<1024xf32, #tpu.memory_space<vmem>>, vector<16xf32>,
      %parallel_loop3A_48 = tpu.bitcast %parallel_loop3A_47 : vector<16xf32> -> vector<16xi32>
      %parallel_loop3A_49 = arith.constant 20 : i32
      %parallel_loop3A_50 = vector.broadcast %parallel_loop3A_49 : i32 to vector<16xi32>
      %parallel_loop3A_51 = arith.shrsi %parallel_loop3A_48, %parallel_loop3A_50 : vector<16xi32>
      %parallel_loop3A_52 = arith.constant 961 : i32
      %parallel_loop3A_53 = vector.broadcast %parallel_loop3A_52 : i32 to vector<16xi32>
      %parallel_loop3A_54 = arith.subi %parallel_loop3A_51, %parallel_loop3A_53 : vector<16xi32>
      %parallel_loop3A_55 = arith.constant 0 : i32
      %parallel_loop3A_56 = arith.constant 127 : i32
      %parallel_loop3A_57 = vector.broadcast %parallel_loop3A_55 : i32 to vector<16xi32>
      %parallel_loop3A_58 = arith.maxsi %parallel_loop3A_57, %parallel_loop3A_54 : vector<16xi32>
      %parallel_loop3A_59 = vector.broadcast %parallel_loop3A_56 : i32 to vector<16xi32>
      %parallel_loop3A_60 = arith.minsi %parallel_loop3A_59, %parallel_loop3A_58 : vector<16xi32>
      tpu.vector_store_idx %arg6[%parallel_loop3A_60], %broadcast_in_dim3A_20 {add = true} : memref<128xi32, #tpu.memory_space<vmem>>[vector<16xi32>], vector<16xi32>,
    } {sc.loop_unroll_factor = 1 : i64, sc.parallel_access}
    %get3A = arith.constant 992 : index
    %get3A_24 = tpu.vector_load %arg5[%get3A] {strides = array<i32>} : memref<1024xf32, #tpu.memory_space<vmem>>, vector<16xf32>,
    %bitcast_convert_type3A = tpu.bitcast %get3A_24 : vector<16xf32> -> vector<16xi32>
    %shift_right_arithmetic3A = arith.constant 20 : i32
    %shift_right_arithmetic3A_25 = vector.broadcast %shift_right_arithmetic3A : i32 to vector<16xi32>
    %shift_right_arithmetic3A_26 = arith.shrsi %bitcast_convert_type3A, %shift_right_arithmetic3A_25 : vector<16xi32>
    %sub3A = arith.constant 961 : i32
    %sub3A_27 = vector.broadcast %sub3A : i32 to vector<16xi32>
    %sub3A_28 = arith.subi %shift_right_arithmetic3A_26, %sub3A_27 : vector<16xi32>
    %jit3A = arith.constant 0 : i32
    %jit3A_29 = arith.constant 127 : i32
    %max3A = vector.broadcast %jit3A : i32 to vector<16xi32>
    %max3A_30 = arith.maxsi %max3A, %sub3A_28 : vector<16xi32>
    %min3A = vector.broadcast %jit3A_29 : i32 to vector<16xi32>
    %min3A_31 = arith.minsi %min3A, %max3A_30 : vector<16xi32>
    %iota3A = tpu.iota {dimensions = array<i32: 0>} : vector<16xi32>
    %lt3A = arith.constant 7 : i32
    %lt3A_32 = vector.broadcast %lt3A : i32 to vector<16xi32>
    %lt3A_33 = arith.cmpi slt, %iota3A, %lt3A_32 : vector<16xi32>
    tpu.vector_store_idx %arg6[%min3A_31], %broadcast_in_dim3A_20 masked %lt3A_33 {add = true} : memref<128xi32, #tpu.memory_space<vmem>>[vector<16xi32>], vector<16xi32>, vector<16xi1>
    %scan3A = arith.constant 0 : i32
    %scan3A_34 = arith.constant 0 : i32
    %scan3A_35 = arith.constant 8 : i32
    %scan3A_36 = arith.addi %scan3A_34, %scan3A_35 : i32
    %scan3A_37 = arith.constant 1 : i32
    %scan3A_38 = scf.for %scan3A_45 = %scan3A_34 to %scan3A_36 step %scan3A_37 iter_args(%scan3A_46 = %scan3A) -> (i32)  : i32 {
      %mul3A_47 = arith.constant 16 : i32
      %mul3A_48 = arith.muli %scan3A_45, %mul3A_47 : i32
      %sub3A_49 = arith.constant 112 : i32
      %sub3A_50 = arith.subi %sub3A_49, %mul3A_48 : i32
      %get3A_51 = arith.index_cast %sub3A_50 : i32 to index
      %get3A_52 = tpu.vector_load %arg6[%get3A_51] {strides = array<i32>} : memref<128xi32, #tpu.memory_space<vmem>>, vector<16xi32>,
      %rev3A = arith.constant 15 : i32
      %rev3A_53 = vector.broadcast %rev3A : i32 to vector<16xi32>
      %rev3A_54 = tpu.iota {dimensions = array<i32: 0>} : vector<16xi32>
      %rev3A_55 = arith.subi %rev3A_53, %rev3A_54 : vector<16xi32>
      %rev3A_56 = tpu.dynamic_gather %get3A_52[%rev3A_55] in [0] : vector<16xi32>, vector<16xi32> -> vector<16xi32>
      %broadcast_in_dim3A_57 = arith.constant true
      %broadcast_in_dim3A_58 = vector.broadcast %broadcast_in_dim3A_57 : i1 to vector<16xi1>
      %masked_cumsum3A = tpu.scan <sum>, %rev3A_56 masked %broadcast_in_dim3A_58 : vector<16xi32>, vector<16xi1> -> vector<16xi32>
      %add3A_59 = vector.broadcast %scan3A_46 : i32 to vector<16xi32>
      %add3A_60 = arith.addi %masked_cumsum3A, %add3A_59 : vector<16xi32>
      %slice3A = vector.extract_strided_slice %add3A_60 {offsets = [15], sizes = [1], strides = [1]} : vector<16xi32> to vector<1xi32>
      %squeeze3A = vector.extract %slice3A[0] : i32 from vector<1xi32>
      %rev3A_61 = arith.constant 15 : i32
      %rev3A_62 = vector.broadcast %rev3A_61 : i32 to vector<16xi32>
      %rev3A_63 = tpu.iota {dimensions = array<i32: 0>} : vector<16xi32>
      %rev3A_64 = arith.subi %rev3A_62, %rev3A_63 : vector<16xi32>
      %rev3A_65 = tpu.dynamic_gather %add3A_60[%rev3A_64] in [0] : vector<16xi32>, vector<16xi32> -> vector<16xi32>
      %sub3A_66 = arith.constant 1 : i32
      %sub3A_67 = vector.broadcast %sub3A_66 : i32 to vector<16xi32>
      %sub3A_68 = arith.subi %rev3A_65, %sub3A_67 : vector<16xi32>
      %jit3A_69 = arith.constant 0 : i32
      %jit3A_70 = arith.constant 998 : i32
      %max3A_71 = vector.broadcast %jit3A_69 : i32 to vector<16xi32>
      %max3A_72 = arith.maxsi %max3A_71, %sub3A_68 : vector<16xi32>
      %min3A_73 = vector.broadcast %jit3A_70 : i32 to vector<16xi32>
      %min3A_74 = arith.minsi %min3A_73, %max3A_72 : vector<16xi32>
      %swap3A_75 = arith.index_cast %sub3A_50 : i32 to index
      %swap3A_76 = tpu.vector_load %arg6[%swap3A_75] {strides = array<i32>} : memref<128xi32, #tpu.memory_space<vmem>>, vector<16xi32>,
      tpu.vector_store %arg6[%swap3A_75], %min3A_74 {strides = array<i32>} : memref<128xi32, #tpu.memory_space<vmem>>, vector<16xi32>,
      scf.yield %squeeze3A : i32
    }
    %scan3A_39 = arith.constant 8 : i32
    %dma_wait3A_40 = tpu.memref_slice %arg2[%mul3A_2] : memref<65536xf32, #tpu.memory_space<hbm>> -> memref<2048xf32, #tpu.memory_space<hbm>>
    %dma_wait3A_41 = tpu.memref_slice %arg2[%mul3A_2] : memref<65536xf32, #tpu.memory_space<hbm>> -> memref<2048xf32, #tpu.memory_space<hbm>>
    tpu.wait_dma2 semaphore(%arg10 : memref<!tpu.dma_semaphore, #tpu.memory_space<semaphore_mem>>) src(%dma_wait3A_41 : memref<2048xf32, #tpu.memory_space<hbm>>) dst(%arg7 : memref<2048xf32, #tpu.memory_space<vmem>>)
    %parallel_loop3A_42 = arith.constant 0 : i32
    %parallel_loop3A_43 = arith.constant 2048 : i32
    %parallel_loop3A_44 = arith.constant 16 : i32
    scf.for %parallel_loop3A_45 = %parallel_loop3A_42 to %parallel_loop3A_43 step %parallel_loop3A_44  : i32 {
      %parallel_loop3A_46 = arith.constant 0 : i32
      %parallel_loop3A_47 = arith.addi %parallel_loop3A_45, %parallel_loop3A_46 : i32
      %parallel_loop3A_48 = arith.index_cast %parallel_loop3A_47 : i32 to index
      %parallel_loop3A_49 = tpu.vector_load %arg7[%parallel_loop3A_48] {strides = array<i32>} : memref<2048xf32, #tpu.memory_space<vmem>>, vector<16xf32>,
      %parallel_loop3A_50 = tpu.bitcast %parallel_loop3A_49 : vector<16xf32> -> vector<16xi32>
      %parallel_loop3A_51 = arith.constant 20 : i32
      %parallel_loop3A_52 = vector.broadcast %parallel_loop3A_51 : i32 to vector<16xi32>
      %parallel_loop3A_53 = arith.shrsi %parallel_loop3A_50, %parallel_loop3A_52 : vector<16xi32>
      %parallel_loop3A_54 = arith.constant 960 : i32
      %parallel_loop3A_55 = vector.broadcast %parallel_loop3A_54 : i32 to vector<16xi32>
      %parallel_loop3A_56 = arith.subi %parallel_loop3A_53, %parallel_loop3A_55 : vector<16xi32>
      %parallel_loop3A_57 = arith.constant 0 : i32
      %parallel_loop3A_58 = arith.constant 127 : i32
      %parallel_loop3A_59 = vector.broadcast %parallel_loop3A_57 : i32 to vector<16xi32>
      %parallel_loop3A_60 = arith.maxsi %parallel_loop3A_59, %parallel_loop3A_56 : vector<16xi32>
      %parallel_loop3A_61 = vector.broadcast %parallel_loop3A_58 : i32 to vector<16xi32>
      %parallel_loop3A_62 = arith.minsi %parallel_loop3A_61, %parallel_loop3A_60 : vector<16xi32>
      %parallel_loop3A_63 = tpu.vector_load_idx %arg6[%parallel_loop3A_62] : memref<128xi32, #tpu.memory_space<vmem>>[vector<16xi32>], vector<16xi32>,
      %parallel_loop3A_64 = arith.constant 16 : i32
      %parallel_loop3A_65 = vector.broadcast %parallel_loop3A_64 : i32 to vector<16xi32>
      %parallel_loop3A_66 = arith.addi %parallel_loop3A_63, %parallel_loop3A_65 : vector<16xi32>
      %parallel_loop3A_67 = tpu.vector_load_idx %arg5[%parallel_loop3A_66] : memref<1024xf32, #tpu.memory_space<vmem>>[vector<16xi32>], vector<16xf32>,
      %parallel_loop3A_68 = arith.cmpf oge, %parallel_loop3A_67, %parallel_loop3A_49 : vector<16xf32>
      %parallel_loop3A_69 = arith.select %parallel_loop3A_68, %parallel_loop3A_66, %parallel_loop3A_63 : vector<16xi1>, vector<16xi32>
      %parallel_loop3A_70 = arith.constant 8 : i32
      %parallel_loop3A_71 = vector.broadcast %parallel_loop3A_70 : i32 to vector<16xi32>
      %parallel_loop3A_72 = arith.addi %parallel_loop3A_69, %parallel_loop3A_71 : vector<16xi32>
      %parallel_loop3A_73 = tpu.vector_load_idx %arg5[%parallel_loop3A_72] : memref<1024xf32, #tpu.memory_space<vmem>>[vector<16xi32>], vector<16xf32>,
      %parallel_loop3A_74 = arith.cmpf oge, %parallel_loop3A_73, %parallel_loop3A_49 : vector<16xf32>
      %parallel_loop3A_75 = arith.select %parallel_loop3A_74, %parallel_loop3A_72, %parallel_loop3A_69 : vector<16xi1>, vector<16xi32>
      %parallel_loop3A_76 = arith.constant 4 : i32
      %parallel_loop3A_77 = vector.broadcast %parallel_loop3A_76 : i32 to vector<16xi32>
      %parallel_loop3A_78 = arith.addi %parallel_loop3A_75, %parallel_loop3A_77 : vector<16xi32>
      %parallel_loop3A_79 = tpu.vector_load_idx %arg5[%parallel_loop3A_78] : memref<1024xf32, #tpu.memory_space<vmem>>[vector<16xi32>], vector<16xf32>,
      %parallel_loop3A_80 = arith.cmpf oge, %parallel_loop3A_79, %parallel_loop3A_49 : vector<16xf32>
      %parallel_loop3A_81 = arith.select %parallel_loop3A_80, %parallel_loop3A_78, %parallel_loop3A_75 : vector<16xi1>, vector<16xi32>
      %parallel_loop3A_82 = arith.constant 2 : i32
      %parallel_loop3A_83 = vector.broadcast %parallel_loop3A_82 : i32 to vector<16xi32>
      %parallel_loop3A_84 = arith.addi %parallel_loop3A_81, %parallel_loop3A_83 : vector<16xi32>
      %parallel_loop3A_85 = tpu.vector_load_idx %arg5[%parallel_loop3A_84] : memref<1024xf32, #tpu.memory_space<vmem>>[vector<16xi32>], vector<16xf32>,
      %parallel_loop3A_86 = arith.cmpf oge, %parallel_loop3A_85, %parallel_loop3A_49 : vector<16xf32>
      %parallel_loop3A_87 = arith.select %parallel_loop3A_86, %parallel_loop3A_84, %parallel_loop3A_81 : vector<16xi1>, vector<16xi32>
      %parallel_loop3A_88 = arith.constant 1 : i32
      %parallel_loop3A_89 = vector.broadcast %parallel_loop3A_88 : i32 to vector<16xi32>
      %parallel_loop3A_90 = arith.addi %parallel_loop3A_87, %parallel_loop3A_89 : vector<16xi32>
      %parallel_loop3A_91 = tpu.vector_load_idx %arg5[%parallel_loop3A_90] : memref<1024xf32, #tpu.memory_space<vmem>>[vector<16xi32>], vector<16xf32>,
      %parallel_loop3A_92 = arith.cmpf oge, %parallel_loop3A_91, %parallel_loop3A_49 : vector<16xf32>
      %parallel_loop3A_93 = arith.select %parallel_loop3A_92, %parallel_loop3A_90, %parallel_loop3A_87 : vector<16xi1>, vector<16xi32>
      %parallel_loop3A_94 = arith.constant 998 : i32
      %parallel_loop3A_95 = vector.broadcast %parallel_loop3A_94 : i32 to vector<16xi32>
      %parallel_loop3A_96 = arith.minsi %parallel_loop3A_93, %parallel_loop3A_95 : vector<16xi32>
      %parallel_loop3A_97 = tpu.vector_load_idx %arg5[%parallel_loop3A_96] : memref<1024xf32, #tpu.memory_space<vmem>>[vector<16xi32>], vector<16xf32>,
      %parallel_loop3A_98 = arith.constant 1 : i32
      %parallel_loop3A_99 = vector.broadcast %parallel_loop3A_98 : i32 to vector<16xi32>
      %parallel_loop3A_100 = arith.addi %parallel_loop3A_96, %parallel_loop3A_99 : vector<16xi32>
      %parallel_loop3A_101 = tpu.vector_load_idx %arg5[%parallel_loop3A_100] : memref<1024xf32, #tpu.memory_space<vmem>>[vector<16xi32>], vector<16xf32>,
      %parallel_loop3A_102 = arith.subf %parallel_loop3A_97, %parallel_loop3A_49 : vector<16xf32>
      %parallel_loop3A_103 = arith.subf %parallel_loop3A_97, %parallel_loop3A_101 : vector<16xf32>
      %parallel_loop3A_104 = arith.divf %parallel_loop3A_102, %parallel_loop3A_103 : vector<16xf32>
      %parallel_loop3A_105 = arith.constant 0.000000e+00 : f32
      %parallel_loop3A_106 = arith.constant 1.000000e+00 : f32
      %parallel_loop3A_107 = vector.broadcast %parallel_loop3A_105 : f32 to vector<16xf32>
      %parallel_loop3A_108 = arith.maximumf %parallel_loop3A_107, %parallel_loop3A_104 : vector<16xf32>
      %parallel_loop3A_109 = vector.broadcast %parallel_loop3A_106 : f32 to vector<16xf32>
      %parallel_loop3A_110 = arith.minimumf %parallel_loop3A_109, %parallel_loop3A_108 : vector<16xf32>
      %parallel_loop3A_111 = arith.sitofp %parallel_loop3A_96 : vector<16xi32> to vector<16xf32>
      %parallel_loop3A_112 = arith.constant 1.000000e+00 : f32
      %parallel_loop3A_113 = vector.broadcast %parallel_loop3A_112 : f32 to vector<16xf32>
      %parallel_loop3A_114 = arith.subf %parallel_loop3A_113, %parallel_loop3A_110 : vector<16xf32>
      %parallel_loop3A_115 = arith.mulf %parallel_loop3A_114, %parallel_loop3A_111 : vector<16xf32>
      %parallel_loop3A_116 = arith.constant 1.000000e+00 : f32
      %parallel_loop3A_117 = vector.broadcast %parallel_loop3A_116 : f32 to vector<16xf32>
      %parallel_loop3A_118 = arith.addf %parallel_loop3A_111, %parallel_loop3A_117 : vector<16xf32>
      %parallel_loop3A_119 = arith.mulf %parallel_loop3A_110, %parallel_loop3A_118 : vector<16xf32>
      %parallel_loop3A_120 = arith.addf %parallel_loop3A_115, %parallel_loop3A_119 : vector<16xf32>
      %parallel_loop3A_121 = arith.constant 0 : i32
      %parallel_loop3A_122 = arith.addi %parallel_loop3A_45, %parallel_loop3A_121 : i32
      %parallel_loop3A_123 = arith.index_cast %parallel_loop3A_122 : i32 to index
      %parallel_loop3A_124 = tpu.vector_load %arg8[%parallel_loop3A_123] {strides = array<i32>} : memref<2048xf32, #tpu.memory_space<vmem>>, vector<16xf32>,
      tpu.vector_store %arg8[%parallel_loop3A_123], %parallel_loop3A_120 {strides = array<i32>} : memref<2048xf32, #tpu.memory_space<vmem>>, vector<16xf32>,
    } {sc.loop_unroll_factor = 1 : i64, sc.parallel_access}
    "tpu.region"() ({
      %run_scoped3A = tpu.sem_alloc : memref<!tpu.dma_semaphore, #tpu.memory_space<semaphore_mem>>
      %dma_start3A_45 = tpu.memref_slice %arg4[%mul3A_2] : memref<65536xf32, #tpu.memory_space<hbm>> -> memref<2048xf32, #tpu.memory_space<hbm>>
      %dma_start3A_46 = tpu.memref_slice %arg4[%mul3A_2] : memref<65536xf32, #tpu.memory_space<hbm>> -> memref<2048xf32, #tpu.memory_space<hbm>>
      tpu.enqueue_dma source(%arg8 : memref<2048xf32, #tpu.memory_space<vmem>>) target(%dma_start3A_46 : memref<2048xf32, #tpu.memory_space<hbm>>) target_semaphore(%run_scoped3A : memref<!tpu.dma_semaphore, #tpu.memory_space<semaphore_mem>>)
      %dma_wait3A_47 = tpu.memref_slice %arg4[%mul3A_2] : memref<65536xf32, #tpu.memory_space<hbm>> -> memref<2048xf32, #tpu.memory_space<hbm>>
      %dma_wait3A_48 = tpu.memref_slice %arg4[%mul3A_2] : memref<65536xf32, #tpu.memory_space<hbm>> -> memref<2048xf32, #tpu.memory_space<hbm>>
      tpu.wait_dma2 semaphore(%run_scoped3A : memref<!tpu.dma_semaphore, #tpu.memory_space<semaphore_mem>>) src(%arg8 : memref<2048xf32, #tpu.memory_space<vmem>>) dst(%dma_wait3A_48 : memref<2048xf32, #tpu.memory_space<hbm>>)
      tpu.yield
    }) : () -> ()
    return
  }
}

</mosaic_0001>

<sc_bundles>
// kernel: kernel.3.cloned.1.call-start
scs
__scs_entry_jumppad:
0x0: {  	(pc) =	sbr.rel $0x88, $3  }
0x1: {  	(tag) =	ssettag $0x0;
	lr =	simm.s32 $0x1  }
0x2: {  	[smem:$0x3F9F] =	sst lr;
	_ =	strace $0xD0000000  }
0x3: {  	_ = 	snop  }
0x4: {  	_ = 	snop  }
0x5: {  	_ = 	snop  }
0x6: {  	_ = 	snop  }
0x7: {  	_ = 	snop  }
__scs_overlays_trampoline_lowered:
0x8: {  	[smem:$0x3FAE] =	sst s0  }
0x9: {  	[smem:$0x3FAF] =	sst s1  }
0xa: {  	[smem:$0x3FB0] =	sst s2  }
0xb: {  	[smem:$0x3FB1] =	sst s3  }
0xc: {  	[smem:$0x3FB2] =	sst s4  }
0xd: {  	[smem:$0x3FB3] =	sst s5  }
0xe: {  	[smem:$0x3FB4] =	sst s6  }
0xf: {  	[smem:$0x3FB5] =	sst s7  }
0x10: {  	[smem:$0x3FB6] =	sst s8  }
0x11: {  	[smem:$0x3FB7] =	sst s9;
	s0 =	simm.s32 @!p0 $0x0  }
0x12: {  	s1 =	sld [smem:$0x3F9D];
	s0 =	simm.s32 @p0 $0x1  }
0x13: {  	[smem:$0x3FB8] =	sst s0;
	s0 =	simm.s32 @!p1 $0x0  }
0x14: {  	s2 =	sld [smem:$0x3F9C];
	s0 =	simm.s32 @p1 $0x1  }
0x15: {  	[smem:$0x3FB9] =	sst s0;
	s0 =	simm.s32 @!p2 $0x0  }
0x16: {  	s3 =	sld [smem:$0x3FDB];
	s0 =	simm.s32 @p2 $0x1  }
0x17: {  	s4 =	simm.s32 $0x1BF5;
	[smem:$0x3FBB] =	sst s0  }
0x18: {  	s0 =	sld [smem:$0x3F9E];
	_ =	swait.ge [sflag:s4], $0x0  }
0x19: {  	s7 =	sld [smem:$0x3F9F]  }
0x1a: {  	s8 =	sadd.s32 $0xFFFFE003, lr  }
0x1b: {  	s9 =	sadd.s32 $0xFFFFFEF7, lr;
	s5 =	simm.s32 $0xFFFFFFFF;
	p2 =	slt.u32 s8, $0xFFFFF086  }
0x1c: {  	p1 =	slt.u32 s9, $0xF7A;
	s5 =	simm.s32 @!p2 $0x0  }
0x1d: {  	s5 =	simm.s32 @p1 $0x1;
	p0 =	seq.s32 s7, s2  }
0x1e: {  	s7 =	smul.u32 @!p0 $0xF7A, s2;
	p2 =	seq.s32 @!p0 s5, $0x0  }
0x1f: {  	s9 =	smul.u32 $0xF7A, s1;
	s8 =	simm.s32 @!p0 $0x1BF5;
	p2 =	por !p2, p0  }
0x20: {  	[sflag:s8] =	ssyncset.s32 @!p0 $0xFFFFF086;
	s6 =	sadd.s32 @!p0 s3, s7;
	s7 =	simm.s32 @!p0 $0x108  }
0x21: {  	s3 =	sadd.s32 s3, s9;
	s6 =	sadd.s32 @!p0 $0x88, s6;
	s7 =	simm.s32 @p2 $0x1082  }
0x22: {  	[simem:s7], [sflag:s8] =	dma.local @!p0 [hbm:s6], $0xF7A  }
0x23: {  	s9 =	sor.u32 $0xD0000000, s2;
	s6 =	simm.s32 $0x108;
	_ =	swait.ge @!p0 [sflag:s8], $0x0  }
0x24: {  	s3 =	sadd.s32 $0x88, s3;
	s6 =	simm.s32 @!p1 $0x1082;
	[sflag:s4] =	ssyncset.s32 $0xFFFFF086  }
0x25: {  	[simem:s6], [sflag:s4] =	dma.local [hbm:s3], $0xF7A  }
0x26: {  	[smem:$0x3F9F] =	sst s1;
	(tag) =	ssettag s2;
	_ =	strace s9  }
0x27: {  	s1 =	sld [smem:$0x3FAF]  }
0x28: {  	s2 =	sld [smem:$0x3FB0]  }
0x29: {  	s4 =	sld [smem:$0x3FB2]  }
0x2a: {  	p0 =	seq.s32 s5, $0x0;
	s5 =	sld [smem:$0x3FB3]  }
0x2b: {  	s6 =	sld [smem:$0x3FB4]  }
0x2c: {  	s7 =	sld [smem:$0x3FB5]  }
0x2d: {  	s3 =	simm.s32 $0x108;
	s8 =	sld [smem:$0x3FB6]  }
0x2e: {  	s3 =	simm.s32 @!p0 $0x1082;
	s9 =	sld [smem:$0x3FB7]  }
0x2f: {  	lr =	sadd.s32 s0, s3;
	s0 =	sld [smem:$0x3FAE]  }
0x30: {  	s3 =	sld [smem:$0x3FB1]  }
0x31: {  	[smem:$0x3FBA] =	sst s10  }
0x32: {  	s10 =	sld [smem:$0x3FB8];
	_ =	sdelay $0x3  }
0x33: {  	p0 =	seq.s32 s10, $0x1;
	s10 =	sld [smem:$0x3FBA];
	_ =	sdelay $0x3  }
0x34: {  	[smem:$0x3FBA] =	sst s10  }
0x35: {  	s10 =	sld [smem:$0x3FB9];
	_ =	sdelay $0x3  }
0x36: {  	p1 =	seq.s32 s10, $0x1;
	s10 =	sld [smem:$0x3FBA];
	_ =	sdelay $0x3  }
0x37: {  	[smem:$0x3FBA] =	sst s10  }
0x38: {  	s10 =	sld [smem:$0x3FBB]  }
0x39: {  	_ = 	snop;
	(pc) =	sbr.ind lr, $3  }
0x3a: {  	_ = 	snop  }
0x3b: {  	_ = 	snop  }
0x3c: {  	p2 =	seq.s32 s10, $0x1;
	s10 =	sld [smem:$0x3FBA]  }
0x3d: {  	_ =	shalt  }
0x3e: {  	_ =	shalt  }
0x3f: {  	_ =	shalt  }
0x40: {  	_ =	shalt  }
0x41: {  	_ =	shalt  }
0x42: {  	_ =	shalt  }
0x43: {  	_ =	shalt  }
0x44: {  	_ =	shalt  }
0x45: {  	_ =	shalt  }
0x46: {  	_ =	shalt  }
0x47: {  	_ =	shalt  }
0x48: {  	_ =	shalt  }
0x49: {  	_ =	shalt  }
0x4a: {  	_ =	shalt  }
0x4b: {  	_ =	shalt  }
0x4c: {  	_ =	shalt  }
0x4d: {  	_ =	shalt  }
0x4e: {  	_ =	shalt  }
0x4f: {  	_ =	shalt  }
0x50: {  	_ =	shalt  }
0x51: {  	_ =	shalt  }
0x52: {  	_ =	shalt  }
0x53: {  	_ =	shalt  }
0x54: {  	_ =	shalt  }
0x55: {  	_ =	shalt  }
0x56: {  	_ =	shalt  }
0x57: {  	_ =	shalt  }
0x58: {  	_ =	shalt  }
0x59: {  	_ =	shalt  }
0x5a: {  	_ =	shalt  }
0x5b: {  	_ =	shalt  }
0x5c: {  	_ =	shalt  }
0x5d: {  	_ =	shalt  }
0x5e: {  	_ =	shalt  }
0x5f: {  	_ =	shalt  }
0x60: {  	_ =	shalt  }
0x61: {  	_ =	shalt  }
0x62: {  	_ =	shalt  }
0x63: {  	_ =	shalt  }
0x64: {  	_ =	shalt  }
0x65: {  	_ =	shalt  }
0x66: {  	_ =	shalt  }
0x67: {  	_ =	shalt  }
0x68: {  	_ =	shalt  }
0x69: {  	_ =	shalt  }
0x6a: {  	_ =	shalt  }
0x6b: {  	_ =	shalt  }
0x6c: {  	_ =	shalt  }
0x6d: {  	_ =	shalt  }
0x6e: {  	_ =	shalt  }
0x6f: {  	_ =	shalt  }
0x70: {  	_ =	shalt  }
0x71: {  	_ =	shalt  }
0x72: {  	_ =	shalt  }
0x73: {  	_ =	shalt  }
0x74: {  	_ =	shalt  }
0x75: {  	_ =	shalt  }
0x76: {  	_ =	shalt  }
0x77: {  	_ =	shalt  }
0x78: {  	_ =	shalt  }
0x79: {  	_ =	shalt  }
0x7a: {  	_ =	shalt  }
0x7b: {  	_ =	shalt  }
0x7c: {  	_ =	shalt  }
0x7d: {  	_ =	shalt  }
0x7e: {  	_ =	shalt  }
0x7f: {  	_ =	shalt  }
0x80: {  	_ =	shalt  }
0x81: {  	_ =	shalt  }
0x82: {  	_ =	shalt  }
0x83: {  	_ =	shalt  }
0x84: {  	_ =	shalt  }
0x85: {  	_ =	shalt  }
0x86: {  	_ =	shalt  }
0x87: {  	_ =	shalt  }
.Lfunc_end0:
.L_simem_size_0:
called_computation_lowered:
.L_overlay_start_0:
0x88: {  	s2 =	sld [smem:$0x3FD9]  }
0x89: {  	s3 =	sld [smem:$0x3FFE];
	_ =	sdelay $0x1  }
0x8a: {  	s1 =	srdreg.scid  }
0x8b: {  	s0 =	sand.u32 $0x1, s1  }
0x8c: {  	s18 =	sshll.u32 s0, $0xA;
	s2 =	sadd.s32 s3, s2  }
0x8d: {  	s2 =	sadd.s32 s2, s18  }
0x8e: {  	[smem:$0x3FC6] =	sst s2  }
0x8f: {  	_ = 	snop  }
0x90: {  	s2 =	sld [smem:$0x3FC9]  }
0x91: {  	s19 =	sld [smem:$0x3FC8]  }
0x92: {  	s4 =	sld [smem:$0x3FD0];
	(tm) =	ssettm $0x1  }
0x93: {  	s5 =	sld [smem:$0x3FFB];
	_ =	sdelay $0x3  }
0x94: {  	_ =	strace s5  }
0x95: {  	s5 =	sld [smem:$0x3FFC];
	_ =	sdelay $0x3  }
0x96: {  	_ =	strace s5  }
0x97: {  	s5 =	sld [smem:$0x3FFD];
	_ =	sdelay $0x3  }
0x98: {  	_ =	strace s5  }
0x99: {  	_ =	strace $0x8FFFFFFF  }
0x9a: {  	s20 =	sld [smem:$0x3FDB];
	_ =	sdelay $0x1  }
0x9b: {  	s6 =	simm.s32 $_scs_section_size  }
0x9c: {  	s7 =	simm.s32 $_size__tile_overlayer_lowered;
	s8 =	simm.s32 $_tile_overlayer_lowered  }
0x9d: {  	s23 =	simm.s32 $0x1BFF;
	s22 =	sshll.u32 s8, $0x1;
	s5 =	sadd.s32 s6, s20  }
0x9e: {  	s9 =	simm.s32 $0x0;
	s21 =	sshll.u32 s7, $0x1;
	s7 =	sadd.s32 s22, s5  }
0x9f: {  	[timem:s9], [sflag:s23] =	dma.local [hbm:s7], s21  }
0xa0: {  	_ =	swait.ge [sflag:s23], s21  }
0xa1: {  	s6 =	ssub.s32 $0x0, s21;
	[sflag:s23] =	ssyncset.done $0x0  }
0xa2: {  	[sflag:s23] =	ssyncadd.s32 s6;
	_ =	sdelay $0x1  }
0xa3: {  	s24 =	simm.s32 $0x1B8B  }
0xa4: {  	_ =	swait.ge [sflag:s24], $0x1  }
0xa5: {  	[sflag:s24] =	ssyncset.done $0x0  }
0xa6: {  	s25 =	simm.s32 $0x1B8E;
	[sflag:s24] =	ssyncadd.s32 $0xFFFFFFFF  }
0xa7: {  	s26 =	simm.s32 $execute0_lowered;
	[smem:$0x3FD2] =	sst s25  }
0xa8: {  	s6 =	sshll.u32 s26, $0x1;
	_ =	strace $0x80000046;
	[dreg:$0x1] =	wrdreg $0xFFFFFFFF  }
0xa9: {  	s28 =	simm.s32 $_size_execute0_lowered;
	s5 =	sadd.s32 s5, s6;
	[dreg:$0x0] =	wrdreg $0x0  }
0xaa: {  	s6 =	sshll.u32 s28, $0x1;
	[dreg:$0x2] =	wrdreg s5  }
0xab: {  	[dreg:$0x3] =	wrdreg s6  }
0xac: {  	[dreg:$0x4] =	wrdreg $0xC0  }
0xad: {  	_ =	task [dreg:s9], $0x5FFFF  }
0xae: {  	[dreg:$0x1] =	wrdreg $0xFFFFFFFF  }
0xaf: {  	[dreg:$0x0] =	wrdreg $0x60  }
0xb0: {  	[dreg:$0x2] =	wrdreg s2  }
0xb1: {  	[dreg:$0x3] =	wrdreg s19  }
0xb2: {  	[dreg:$0x4] =	wrdreg s4  }
0xb3: {  	[dreg:$0x5] =	wrdreg $0x9  }
0xb4: {  	_ =	task.clear_ibuf [dreg:s9], $0x6FFFF;
	_ =	strace $0x90000046  }
0xb5: {  	s29 =	simm.s32 $0x9;
	_ =	strace $0x80000048  }
0xb6: {  	_ =	swait.ge [sflag:s29], $0x1  }
0xb7: {  	[sflag:s29] =	ssyncadd.s32 $0xFFFFFFFF  }
0xb8: {  	_ =	strace $0x90000048  }
0xb9: {  	_ =	sfence  }
0xba: {  	s30 =	sld [smem:$0x0];
	_ =	sdelay $0x2  }
0xbb: {  	s31 =	sshll.u32 s1, $0xD;
	s1 =	sshrl.u32 s1, $0x2  }
0xbc: {  	s3 =	sand.u32 $0x4000, s31;
	s1 =	sadd.s32 s1, s30  }
0xbd: {  	s0 =	sor.u32 s3, s0;
	s1 =	sshll.u32 s1, $0x11  }
0xbe: {  	s0 =	sor.u32 s1, s0  }
0xbf: {  	s0 =	sadd.s32 $0x8F2B, s0  }
0xc0: {  	[sflag:s0] =	ssyncadd.remote.s32 $0x1  }
0xc1: {  	_ =	sfence.sel $0xFFFF  }
0xc2: {  	[dreg:$0x0] =	wrdreg $0xFFFFFFFF;
	(pc) =	sbr.abs _section_cstart, $3  }
0xc3: {  	[dreg:$0x1] =	wrdreg $0xFFFFFFFF  }
0xc4: {  	_ =	task.clear_ibuf [dreg:s9], $0x2FFFF;
	_ =	strace $0x9FFFFFFF  }
0xc5: {  	(tm) =	ssettm $0x7FFFFFFF  }
tec
execute0_lowered:
.L_overlay_start_1:
0x0: {  	(tag) =	ssettag $0x1  }
0x1: {  	s4 =	rddreg [dreg:$0x0]  }
0x2: {  	s1 =	rddreg [dreg:$0x1]  }
0x3: {  	s5 =	rddreg [dreg:$0x2]  }
0x4: {  	s0 =	rddreg [dreg:$0x3];
	s6 =	srdreg.scid  }
0x5: {  	s3 =	simm.s32 $0x0;
	s2 =	stileid.u32;
	s10 =	simm.s32 $0x2  }
0x6: {  	s11 =	simm.s32 $0xC80;
	s12 =	simm.s32 $0x3;
	s13 =	simm.s32 $0x0  }
0x7: {  	s6 =	sand.u32 $0x1, s6;
	s8 =	sshll.u32 s2, $0x9;
	[smem:$0x7FF] =	sst s3  }
0x8: {  	v0 =	vlaneseq.u32;
	s7 =	ssub.s32 $0x2, s6;
	s6 =	sshll.u32 s6, $0x8;
	_ =	strace $0x80000047  }
0x9: {  	v3 =	vmul.u32 $0xFFFFFFFF, v0;
	s9 =	sshrl.u32 s7, $0x1;
	s6 =	sor.u32 s6, s8;
	s8 =	simm.s32 $0x1  }
0xa: {  	v1 =	vimm.s32 $0x0;
	s7 =	ssub.s32 s7, s9;
	s4 =	sadd.s32 s4, s6;
	s5 =	sadd.s32 s5, s6  }
0xb: {  	v2 =	vimm.s32 $0x1;
	v0 =	vimm.f32 $-1.000000000e+00;
	v3 =	vadd.s32 $0xF, v3;
	s9 =	simm.s32 $0x400;
	s6 =	smax.u32 s7, $0x1;
	s7 =	simm.s32 $0x480  }
.LBB2_1:
0xc: {  	[tilespmem:s3], [sflag:$0x1] =	stream.linear.gather [hbm4b:s1+s3], $0x3E8, $0x38;
	[tilespmem:$0x1480] =	vst v63  }
0xd: {  	_ = 	snop  }
0xe: {  	[tilespmem:s7], [sflag:$0x2] =	stream.linear.gather [hbm4b:s4+s3], $0x800, $0x38;
	[tilespmem:$0x1480] =	vst v63  }
0xf: {  	[tilespmem:$0x3E8] =	vst v0  }
0x10: {  	[tilespmem:$0x3F0] =	vst v0  }
0x11: {  	s14 =	simm.s32 $0x0;
	s15 =	simm.s32 $0x400;
	[tilespmem:s9+$0x0] =	vst v1  }
.LBB2_2:
0x12: {  	s14 =	sadd.s32 $0x10, s14  }
0x13: {  	p0 =	slt.u32 s14, $0x70  }
.Ltmp0:
0x14: {  	_ = 	snop;
	(pc) =	sbr.rel @p0 .LBB2_2-.Ltmp0, $3  }
0x15: {  	_ =	sdelay $0x1  }
0x16: {  	s15 =	sadd.s32 $0x10, s15  }
0x17: {  	[tilespmem:s15+$0x0] =	vst v1  }
0x18: {  	_ =	swait.ge [sflag:s8], $0x3E8  }
0x19: {  	[sflag:s8] =	ssyncset.done $0x0  }
0x1a: {  	s14 =	simm.s32 $0x0;
	[sflag:s8] =	ssyncadd.s32 $0xFFFFFC18  }
0x1b: {  	v4 =	vld [tilespmem:s14+$0x0];
	_ =	sdelay $0x3  }
0x1c: {  	s31 =	simm.s32 $0x10  }
0x1d: {  	v5 =	vld [tilespmem:s31+$0x0];
	v4 =	vshra.s32 v4, $0x14  }
0x1e: {  	vm0 =	vgt.s32 v4, $0x3C1  }
0x1f: {  	v4 =	vnsel vm0, $0x3C1, v4  }
0x20: {  	v4 =	vmin.u32 v4, $0x440  }
0x21: {  	v4 =	vadd.s32 $0xFFFFFC3F, v4  }
0x22: {  	v6 =	vshra.s32 v5, $0x14  }
0x23: {  	s14 =	simm.s32 $0x20;
	vm15 =	vgt.s32 v6, $0x3C1  }
0x24: {  	s15 =	simm.s32 $0x20;
	v5 =	vld [tilespmem:s14+$0x0];
	v6 =	vnsel vm15, $0x3C1, v6  }
.LBB2_4:
0x25: {  	s15 =	sadd.s32 $0x10, s15  }
0x26: {  	v6 =	vmin.u32 v6, $0x440;
	[tilespmem:v4+s9+$0x0] =	vst.idx.add.s32.msk $0xffff, v2;
	p0 =	slt.u32 s15, $0x3D0  }
.Ltmp1:
0x27: {  	v4 =	vadd.s32 $0xFFFFFC3F, v6;
	(pc) =	sbr.rel @p0 .LBB2_4-.Ltmp1, $4  }
0x28: {  	_ = 	snop  }
0x29: {  	s14 =	sadd.s32 $0x10, s14;
	v6 =	vshra.s32 v5, $0x14  }
0x2a: {  	v5 =	vld [tilespmem:s14+$0x0];
	vm0 =	vgt.s32 v6, $0x3C1  }
0x2b: {  	v6 =	vnsel vm0, $0x3C1, v6  }
0x2c: {  	_ =	sdelay $0x2  }
0x2d: {  	v5 =	vshra.s32 v5, $0x14  }
0x2e: {  	vm0 =	vgt.s32 v5, $0x3C1  }
0x2f: {  	v6 =	vmin.u32 v6, $0x440;
	v5 =	vnsel vm0, $0x3C1, v5  }
0x30: {  	v6 =	vadd.s32 $0xFFFFFC3F, v6;
	v5 =	vmin.u32 v5, $0x440  }
0x31: {  	v5 =	vadd.s32 $0xFFFFFC3F, v5;
	_ =	sdelay $0x2  }
0x32: {  	[tilespmem:v4+s9+$0x0] =	vst.idx.add.s32.msk $0xffff, v2  }
0x33: {  	[tilespmem:v6+s9+$0x0] =	vst.idx.add.s32.msk $0xffff, v2  }
0x34: {  	[tilespmem:v5+s9+$0x0] =	vst.idx.add.s32.msk $0xffff, v2  }
0x35: {  	v4 =	vld [tilespmem:$0x3E0];
	_ =	sdelay $0x4  }
0x36: {  	v4 =	vshra.s32 v4, $0x14  }
0x37: {  	vm14 =	vgt.s32 v4, $0x3C1  }
0x38: {  	v4 =	vnsel vm14, $0x3C1, v4  }
0x39: {  	v4 =	vmin.u32 v4, $0x440  }
0x3a: {  	v4 =	vadd.s32 $0xFFFFFC3F, v4;
	_ =	sdelay $0x4  }
0x3b: {  	s16 =	simm.s32 $0x70;
	[tilespmem:v4+s9+$0x0] =	vst.idx.add.s32.msk $0x7f, v2  }
0x3c: {  	v4 =	vld [tilespmem:s16+$0x400];
	_ =	sdelay $0x4  }
0x3d: {  	v4 =	vperm.xlane v4, v3;
	_ =	sdelay $0x1  }
0x3e: {  	(xrf0) =	vadd.scan.msk.s32 $0xffff, v4;
	_ =	sdelay $0x5  }
0x3f: {  	s14 =	simm.s32 $0x0;
	v4, _, _ =	vpop (xrf0)  }
0x40: {  	v4 =	vadd.s32 s14, v4  }
0x41: {  	v5 =	vperm.xlane v4, v3;
	(v2sf) =	vpush v4, $0xF;
	_ =	sdelay $0x1  }
0x42: {  	v5 =	vadd.s32 $0xFFFFFFFF, v5  }
0x43: {  	vm15 =	vgt.s32 v5, $0x0  }
0x44: {  	v5 =	vnsel vm15, $0x0, v5  }
0x45: {  	v5 =	vmin.u32 v5, $0x3E6  }
0x46: {  	s15 =	simm.s32 $0x140;
	s14 =	simm.s32 $0x60;
	[tilespmem:s16+$0x400] =	vst v5  }
.LBB2_6:
0x47: {  	p0 =	sne.s32 s15, $0x0;
	v4 =	vld [tilespmem:s14+$0x400];
	_ =	sdelay $0x4  }
0x48: {  	v4 =	vperm.xlane v4, v3;
	_ =	sdelay $0x1  }
0x49: {  	(xrf0) =	vadd.scan.msk.s32 $0xffff, v4  }
0x4a: {  	s16 =	spop (v2sf);
	_ =	sdelay $0x4  }
0x4b: {  	v4, _, _ =	vpop (xrf0)  }
0x4c: {  	v4 =	vadd.s32 s16, v4  }
0x4d: {  	v5 =	vperm.xlane v4, v3;
	(v2sf) =	vpush v4, $0xF;
	_ =	sdelay $0x1  }
.Ltmp2:
0x4e: {  	v4 =	vadd.s32 $0xFFFFFFFF, v5;
	(pc) =	sbr.rel @p0 .LBB2_6-.Ltmp2, $4  }
0x4f: {  	vm0 =	vgt.s32 v4, $0x0  }
0x50: {  	v4 =	vnsel vm0, $0x0, v4  }
0x51: {  	v4 =	vmin.u32 v4, $0x3E6  }
0x52: {  	[tilespmem:s14+$0x400] =	vst v4;
	s14 =	sshra.s32 s15, $0x2;
	s15 =	sadd.s32 $0xFFFFFFC0, s15  }
0x53: {  	v4 =	vld [tilespmem:s14+$0x400];
	_ =	sdelay $0x4  }
0x54: {  	v4 =	vperm.xlane v4, v3;
	_ =	sdelay $0x1  }
0x55: {  	(xrf0) =	vadd.scan.msk.s32 $0xffff, v4;
	_ =	sdelay $0x5  }
0x56: {  	s15 =	spop (v2sf);
	v4, _, _ =	vpop (xrf0)  }
0x57: {  	v4 =	vadd.s32 s15, v4  }
0x58: {  	(v2sf) =	vpush v4, $0xF;
	_ =	sdelay $0x8  }
0x59: {  	v4 =	vperm.xlane v4, v3;
	_ =	sdelay $0x1  }
0x5a: {  	v4 =	vadd.s32 $0xFFFFFFFF, v4  }
0x5b: {  	vm0 =	vgt.s32 v4, $0x0  }
0x5c: {  	v4 =	vnsel vm0, $0x0, v4  }
0x5d: {  	v4 =	vmin.u32 v4, $0x3E6  }
0x5e: {  	[tilespmem:s14+$0x400] =	vst v4;
	s21 =	spop (v2sf)  }
0x5f: {  	_ =	swait.ge [sflag:s10], $0x800  }
0x60: {  	[sflag:s10] =	ssyncset.done $0x0  }
0x61: {  	s14 =	simm.s32 $0x480;
	[sflag:s10] =	ssyncadd.s32 $0xFFFFF800  }
0x62: {  	v11 =	vld [tilespmem:s14+$0x0];
	_ =	sdelay $0x4  }
0x63: {  	v4 =	vshra.s32 v11, $0x14  }
0x64: {  	vm13 =	vgt.s32 v4, $0x3C0  }
0x65: {  	v4 =	vnsel vm13, $0x3C0, v4  }
0x66: {  	v4 =	vmin.u32 v4, $0x43F  }
0x67: {  	v4 =	vadd.s32 $0xFFFFFC40, v4;
	_ =	sdelay $0x4  }
0x68: {  	s22 =	simm.s32 $0x490;
	v4 =	vld.idx.msk [tilespmem:v4+s9+$0x0], $0xffff  }
0x69: {  	v14 =	vld [tilespmem:s22+$0x0];
	_ =	sdelay $0x3  }
0x6a: {  	v5 =	vadd.s32 $0x10, v4  }
0x6b: {  	v6 =	vshra.s32 v14, $0x14  }
0x6c: {  	vm14 =	vgt.s32 v6, $0x3C0  }
0x6d: {  	s23 =	simm.s32 $0x4A0;
	v6 =	vnsel vm14, $0x3C0, v6  }
0x6e: {  	v7 =	vld [tilespmem:s23+$0x0];
	v6 =	vmin.u32 v6, $0x43F  }
0x6f: {  	v6 =	vadd.s32 $0xFFFFFC40, v6;
	v8 =	vld.idx.msk [tilespmem:v5+s3+$0x0], $0xffff;
	_ =	sdelay $0x4  }
0x70: {  	v9 =	vshra.s32 v7, $0x14;
	vm1 =	vge.f32 v8, v11;
	v8 =	vld.idx.msk [tilespmem:v6+s9+$0x0], $0xffff  }
0x71: {  	vm15 =	vgt.s32 v9, $0x3C0  }
0x72: {  	s24 =	simm.s32 $0x4B0;
	v6 =	vnsel vm15, $0x3C0, v9;
	v4 =	vsel vm1, v5, v4  }
0x73: {  	v5 =	vmin.u32 v6, $0x43F;
	v6 =	vld [tilespmem:s24+$0x0];
	v9 =	vadd.s32 $0x8, v4  }
0x74: {  	v5 =	vadd.s32 $0xFFFFFC40, v5  }
0x75: {  	v10 =	vadd.s32 $0x10, v8;
	_ =	sdelay $0x2  }
0x76: {  	v13 =	vshra.s32 v6, $0x14;
	v12 =	vld.idx.msk [tilespmem:v9+s3+$0x0], $0xffff  }
0x77: {  	v5 =	vld.idx.msk [tilespmem:v5+s9+$0x0], $0xffff;
	vm4 =	vgt.s32 v13, $0x3C0  }
0x78: {  	v13 =	vnsel vm4, $0x3C0, v13;
	v15 =	vld.idx.msk [tilespmem:v10+s3+$0x0], $0xffff  }
0x79: {  	v13 =	vmin.u32 v13, $0x43F  }
0x7a: {  	v13 =	vadd.s32 $0xFFFFFC40, v13  }
0x7b: {  	vm5 =	vge.f32 v12, v11  }
0x7c: {  	s25 =	simm.s32 $0x4C0;
	v12 =	vadd.s32 $0x10, v5;
	v9 =	vsel vm5, v9, v4  }
0x7d: {  	v4 =	vld [tilespmem:s25+$0x0];
	v16 =	vadd.s32 $0x4, v9;
	vm6 =	vge.f32 v15, v14  }
0x7e: {  	v8 =	vsel vm6, v10, v8  }
0x7f: {  	v10 =	vld.idx.msk [tilespmem:v13+s9+$0x0], $0xffff;
	v13 =	vadd.s32 $0x8, v8;
	_ =	sdelay $0x1  }
0x80: {  	v15 =	vld.idx.msk [tilespmem:v12+s3+$0x0], $0xffff  }
0x81: {  	v17 =	vshra.s32 v4, $0x14;
	v18 =	vld.idx.msk [tilespmem:v16+s3+$0x0], $0xffff  }
0x82: {  	vm7 =	vgt.s32 v17, $0x3C0  }
0x83: {  	v17 =	vnsel vm7, $0x3C0, v17;
	v19 =	vld.idx.msk [tilespmem:v13+s3+$0x0], $0xffff  }
0x84: {  	v17 =	vmin.u32 v17, $0x43F  }
0x85: {  	v17 =	vadd.s32 $0xFFFFFC40, v17;
	vm8 =	vge.f32 v15, v7  }
0x86: {  	s26 =	simm.s32 $0x4D0;
	v15 =	vadd.s32 $0x10, v10;
	v12 =	vsel vm8, v12, v5;
	vm9 =	vge.f32 v18, v11  }
0x87: {  	v5 =	vld [tilespmem:s26+$0x0];
	v18 =	vadd.s32 $0x8, v12;
	v9 =	vsel vm9, v16, v9  }
0x88: {  	v16 =	vadd.s32 $0x2, v9;
	vm10 =	vge.f32 v19, v14  }
0x89: {  	v13 =	vsel vm10, v13, v8  }
0x8a: {  	v17 =	vld.idx.msk [tilespmem:v17+s9+$0x0], $0xffff;
	v19 =	vadd.s32 $0x4, v13  }
0x8b: {  	v8 =	vld.idx.msk [tilespmem:v15+s3+$0x0], $0xffff  }
0x8c: {  	v21 =	vshra.s32 v5, $0x14;
	v20 =	vld.idx.msk [tilespmem:v18+s3+$0x0], $0xffff  }
0x8d: {  	vm11 =	vgt.s32 v21, $0x3C0;
	v22 =	vld.idx.msk [tilespmem:v16+s3+$0x0], $0xffff  }
0x8e: {  	v21 =	vnsel vm11, $0x3C0, v21  }
0x8f: {  	v21 =	vmin.u32 v21, $0x43F;
	v23 =	vld.idx.msk [tilespmem:v19+s3+$0x0], $0xffff  }
0x90: {  	v21 =	vadd.s32 $0xFFFFFC40, v21;
	vm12 =	vge.f32 v8, v6  }
0x91: {  	s28 =	simm.s32 $0x4E0;
	v24 =	vadd.s32 $0x10, v17;
	v10 =	vsel vm12, v15, v10;
	vm13 =	vge.f32 v20, v7  }
0x92: {  	v8 =	vld [tilespmem:s28+$0x0];
	v15 =	vadd.s32 $0x8, v10;
	v12 =	vsel vm13, v18, v12;
	vm14 =	vge.f32 v22, v11  }
0x93: {  	v18 =	vadd.s32 $0x4, v12;
	v9 =	vsel vm14, v16, v9  }
0x94: {  	v16 =	vadd.s32 $0x1, v9;
	vm15 =	vge.f32 v23, v14  }
0x95: {  	v20 =	vld.idx.msk [tilespmem:v21+s9+$0x0], $0xffff;
	v13 =	vsel vm15, v19, v13  }
0x96: {  	v21 =	vld.idx.msk [tilespmem:v24+s3+$0x0], $0xffff;
	v22 =	vadd.s32 $0x2, v13  }
0x97: {  	v23 =	vshra.s32 v8, $0x14;
	v19 =	vld.idx.msk [tilespmem:v15+s3+$0x0], $0xffff  }
0x98: {  	vm4 =	vgt.s32 v23, $0x3C0;
	v25 =	vld.idx.msk [tilespmem:v18+s3+$0x0], $0xffff  }
0x99: {  	v23 =	vnsel vm4, $0x3C0, v23;
	v26 =	vld.idx.msk [tilespmem:v16+s3+$0x0], $0xffff  }
0x9a: {  	v23 =	vmin.u32 v23, $0x43F  }
0x9b: {  	vm5 =	vge.f32 v21, v4;
	v21 =	vadd.s32 $0xFFFFFC40, v23;
	v23 =	vld.idx.msk [tilespmem:v22+s3+$0x0], $0xffff  }
0x9c: {  	v17 =	vsel vm5, v24, v17  }
0x9d: {  	v24 =	vadd.s32 $0x10, v20;
	vm6 =	vge.f32 v19, v6;
	v19 =	vadd.s32 $0x8, v17  }
0x9e: {  	v15 =	vsel vm6, v15, v10;
	vm7 =	vge.f32 v25, v7;
	vm8 =	vge.f32 v26, v11  }
0x9f: {  	s29 =	simm.s32 $0x4F0;
	v25 =	vadd.s32 $0x4, v15;
	v12 =	vsel vm7, v18, v12;
	v10 =	vsel vm8, v16, v9  }
0xa0: {  	v9 =	vld [tilespmem:s29+$0x0];
	v16 =	vadd.s32 $0x2, v12;
	vm9 =	vlt.s32 v10, $0x3E6;
	vm10 =	vge.f32 v23, v14  }
0xa1: {  	v18 =	vld.idx.msk [tilespmem:v21+s9+$0x0], $0xffff;
	v21 =	vnsel vm9, $0x3E6, v10;
	v13 =	vsel vm10, v22, v13  }
0xa2: {  	v10 =	vld.idx.msk [tilespmem:v24+s3+$0x0], $0xffff;
	v26 =	vadd.s32 $0x1, v13  }
0xa3: {  	v23 =	vadd.s32 $0x1, v21;
	v22 =	vld.idx.msk [tilespmem:v19+s3+$0x0], $0xffff  }
0xa4: {  	v27 =	vld.idx.msk [tilespmem:v25+s3+$0x0], $0xffff  }
0xa5: {  	v28 =	vshra.s32 v9, $0x14;
	v29 =	vld.idx.msk [tilespmem:v16+s3+$0x0], $0xffff  }
0xa6: {  	vm11 =	vgt.s32 v28, $0x3C0;
	v30 =	vld.idx.msk [tilespmem:v21+s3+$0x0], $0xffff  }
0xa7: {  	v28 =	vnsel vm11, $0x3C0, v28;
	v31 =	vld.idx.msk [tilespmem:v26+s3+$0x0], $0xffff  }
0xa8: {  	vm12 =	vge.f32 v10, v5;
	v23 =	vld.idx.msk [tilespmem:v23+s3+$0x0], $0xffff;
	v28 =	vmin.u32 v28, $0x43F  }
0xa9: {  	vm13 =	vge.f32 v22, v4;
	v22 =	vadd.s32 $0x10, v18;
	v28 =	vadd.s32 $0xFFFFFC40, v28  }
0xaa: {  	v20 =	vsel vm12, v24, v20;
	vm14 =	vge.f32 v27, v6;
	v17 =	vsel vm13, v19, v17  }
0xab: {  	v19 =	vadd.s32 $0x8, v20;
	v15 =	vsel vm14, v25, v15;
	v24 =	vadd.s32 $0x4, v17  }
0xac: {  	s30 =	simm.s32 $0x500;
	vm15 =	vge.f32 v29, v7;
	v25 =	vadd.s32 $0x2, v15;
	vm4 =	vge.f32 v31, v14  }
0xad: {  	v10 =	vld [tilespmem:s30+$0x0];
	v12 =	vsel vm15, v16, v12;
	v23 =	vsub.f32 v30, v23;
	v13 =	vsel vm4, v26, v13  }
0xae: {  	v27 =	vld.idx.msk [tilespmem:v28+s9+$0x0], $0xffff;
	v28 =	vadd.s32 $0x1, v12;
	vm0 =	vlt.s32 v13, $0x3E6  }
0xaf: {  	v16 =	vld.idx.msk [tilespmem:v22+s3+$0x0], $0xffff;
	(erf) = vrcp.f32 v23;
	v13 =	vnsel vm0, $0x3E6, v13  }
0xb0: {  	v23 =	vld.idx.msk [tilespmem:v19+s3+$0x0], $0xffff;
	v32 =	vadd.s32 $0x1, v13  }
0xb1: {  	v29 =	vld.idx.msk [tilespmem:v24+s3+$0x0], $0xffff  }
0xb2: {  	v26 =	vshra.s32 v10, $0x14;
	v31 =	vld.idx.msk [tilespmem:v25+s3+$0x0], $0xffff  }
0xb3: {  	vm5 =	vgt.s32 v26, $0x3C0;
	v33 =	vld.idx.msk [tilespmem:v28+s3+$0x0], $0xffff  }
0xb4: {  	v21 =	vcvt.s32.f32 v21;
	v26 =	vnsel vm5, $0x3C0, v26;
	vm6 =	vge.f32 v16, v8;
	v36 =	vld.idx.msk [tilespmem:v13+s3+$0x0], $0xffff  }
0xb5: {  	v26 =	vmin.u32 v26, $0x43F;
	v16 =	vsub.f32 v30, v11;
	v35 =	vsel vm6, v22, v18;
	v22 =	vld.idx.msk [tilespmem:v32+s3+$0x0], $0xffff  }
0xb6: {  	v26 =	vadd.s32 $0xFFFFFC40, v26;
	v34 =	vadd.s32 $0x10, v27;
	vm7 =	vge.f32 v23, v5  }
0xb7: {  	vm8 =	vge.f32 v29, v4;
	v29 =	vadd.s32 $0x8, v35;
	v37 =	vsel vm7, v19, v20  }
0xb8: {  	s31 =	simm.s32 $0x510;
	vm9 =	vge.f32 v31, v6;
	v19 =	vsel vm8, v24, v17;
	v38 =	vadd.s32 $0x4, v37;
	v17 =	vpop (erf)  }
0xb9: {  	v11 =	vld [tilespmem:s31+$0x0];
	v18 =	vadd.s32 $0x2, v19;
	vm10 =	vge.f32 v33, v7;
	v17 =	vmul.f32 v17, v16  }
0xba: {  	v16 =	vsel vm9, v25, v15;
	v12 =	vsel vm10, v28, v12;
	v22 =	vsub.f32 v36, v22  }
0xbb: {  	v20 =	vld.idx.msk [tilespmem:v26+s9+$0x0], $0xffff;
	vm11 =	vlt.s32 v12, $0x3E6;
	v15 =	vmax.f32 v17, $0.0e+00;
	v17 =	vadd.s32 $0x1, v16  }
0xbc: {  	v23 =	vld.idx.msk [tilespmem:v34+s3+$0x0], $0xffff;
	v12 =	vnsel vm11, $0x3E6, v12;
	v15 =	vmin.f32 v15, $1.000000000e+00;
	(erf) = vrcp.f32 v22  }
0xbd: {  	v24 =	vld.idx.msk [tilespmem:v29+s3+$0x0], $0xffff;
	v28 =	vadd.f32 $1.000000000e+00, v21;
	v31 =	vadd.s32 $0x1, v12;
	v26 =	vsub.f32 $1.000000000e+00, v15  }
0xbe: {  	v25 =	vshra.s32 v11, $0x14;
	v63 =	vld.idx.msk [tilespmem:v38+s3+$0x0], $0xffff  }
0xbf: {  	vm12 =	vgt.s32 v25, $0x3C0;
	v15 =	vmul.f32 v28, v15;
	v28 =	vld.idx.msk [tilespmem:v18+s3+$0x0], $0xffff;
	v21 =	vmul.f32 v21, v26  }
0xc0: {  	v25 =	vnsel vm12, $0x3C0, v25;
	v14 =	vsub.f32 v36, v14;
	v26 =	vld.idx.msk [tilespmem:v17+s3+$0x0], $0xffff  }
0xc1: {  	vm13 =	vge.f32 v23, v9;
	v22 =	vmin.u32 v25, $0x43F;
	v21 =	vadd.f32 v15, v21;
	v15 =	vld.idx.msk [tilespmem:v12+s3+$0x0], $0xffff  }
0xc2: {  	v25 =	vadd.s32 $0x10, v20;
	vm14 =	vge.f32 v24, v8;
	v30 =	vadd.s32 $0xFFFFFC40, v22;
	v24 =	vld.idx.msk [tilespmem:v31+s3+$0x0], $0xffff  }
0xc3: {  	s14 =	simm.s32 $0xC80;
	v22 =	vsel vm13, v34, v27;
	v27 =	vsel vm14, v29, v35;
	vm15 =	vge.f32 v63, v5  }
0xc4: {  	s16 =	simm.s32 $0x520;
	s15 =	simm.s32 $0x90;
	v23 =	vadd.s32 $0x8, v22;
	v29 =	vsel vm15, v38, v37;
	[tilespmem:s14+$0x0] =	vst v21;
	v21 =	vadd.s32 $0x4, v27  }
.LBB2_8:
0xc5: {  	v31 =	vld [tilespmem:s16+$0x0];
	v32 =	vadd.s32 $0x2, v29;
	vm0 =	vge.f32 v28, v4;
	vm1 =	vge.f32 v26, v6;
	v26 =	vpop (erf)  }
0xc6: {  	v33 =	vmovc v4;
	v28 =	vsel vm1, v17, v16;
	v16 =	vsel vm0, v18, v19;
	v14 =	vmul.f32 v26, v14  }
0xc7: {  	v4 =	vmovc v5;
	v5 =	vmovc v8;
	v19 =	vsub.f32 v15, v24;
	v34 =	vld.idx.msk [tilespmem:v30+s9+$0x0], $0xffff;
	v17 =	vadd.s32 $0x1, v16;
	vm0 =	vlt.s32 v28, $0x3E6  }
0xc8: {  	v35 =	vcvt.s32.f32 v13;
	v8 =	vmovc v9;
	v9 =	vmovc v10;
	v24 =	vld.idx.msk [tilespmem:v25+s3+$0x0], $0xffff;
	v30 =	vnsel vm0, $0x3E6, v28;
	v14 =	vmax.f32 v14, $0.0e+00  }
0xc9: {  	v10 =	vmovc v11;
	v18 =	vmovc v32;
	v36 =	vld.idx.msk [tilespmem:v23+s3+$0x0], $0xffff;
	v37 =	vadd.s32 $0x1, v30;
	(erf) = vrcp.f32 v19;
	v14 =	vmin.f32 v14, $1.000000000e+00  }
0xca: {  	v13 =	vmovc v12;
	v40 =	vadd.f32 $1.000000000e+00, v35;
	v26 =	vshra.s32 v31, $0x14;
	v38 =	vld.idx.msk [tilespmem:v21+s3+$0x0], $0xffff;
	v39 =	vsub.f32 $1.000000000e+00, v14;
	v11 =	vmovc v31  }
0xcb: {  	s15 =	sadd.s32 $0x10, s15;
	v12 =	vmovc v30;
	v31 =	vmovc v15;
	v19 =	vmov v29;
	vm0 =	vgt.s32 v26, $0x3C0;
	v28 =	vld.idx.msk [tilespmem:v32+s3+$0x0], $0xffff;
	v32 =	vmov v27  }
0xcc: {  	p0 =	slt.u32 s15, $0x7F0;
	v14 =	vmul.f32 v40, v14;
	v15 =	vnsel vm0, $0x3C0, v26;
	v26 =	vld.idx.msk [tilespmem:v17+s3+$0x0], $0xffff;
	v27 =	vmul.f32 v35, v39  }
.Ltmp3:
0xcd: {  	v29 =	vmin.u32 v15, $0x43F;
	v15 =	vld.idx.msk [tilespmem:v30+s3+$0x0], $0xffff;
	(pc) =	sbr.rel @p0 .LBB2_8-.Ltmp3, $4  }
0xce: {  	vm0 =	vge.f32 v24, v9;
	v30 =	vadd.s32 $0xFFFFFC40, v29;
	v24 =	vld.idx.msk [tilespmem:v37+s3+$0x0], $0xffff;
	v14 =	vadd.f32 v14, v27  }
0xcf: {  	s14 =	sadd.s32 $0x10, s14;
	v29 =	vsel vm0, v25, v20;
	v25 =	vadd.s32 $0x10, v34;
	vm0 =	vge.f32 v36, v8;
	v20 =	vmovc v34  }
0xd0: {  	v27 =	vsel vm0, v23, v22;
	v23 =	vadd.s32 $0x8, v29;
	vm0 =	vge.f32 v38, v5;
	v22 =	vmovc v29;
	[tilespmem:s14+$0x0] =	vst v14  }
0xd1: {  	s16 =	sadd.s32 $0x10, s16;
	v29 =	vsel vm0, v21, v32;
	v21 =	vadd.s32 $0x4, v27;
	v14 =	vsub.f32 v31, v7;
	v7 =	vmovc v6;
	v6 =	vmovc v33  }
0xd2: {  	_ =	sdelay $0x3  }
0xd3: {  	v30 =	vld.idx.msk [tilespmem:v30+s9+$0x0], $0xffff;
	_ =	sdelay $0x4  }
0xd4: {  	v31 =	vadd.s32 $0x10, v30;
	_ =	sdelay $0x2  }
0xd5: {  	v32 =	vld.idx.msk [tilespmem:v25+s3+$0x0], $0xffff;
	_ =	sdelay $0x1  }
0xd6: {  	v33 =	vld.idx.msk [tilespmem:v31+s3+$0x0], $0xffff;
	_ =	sdelay $0x2  }
0xd7: {  	vm0 =	vge.f32 v32, v10  }
0xd8: {  	v20 =	vsel vm0, v25, v20  }
0xd9: {  	v25 =	vadd.s32 $0x8, v20;
	vm6 =	vge.f32 v33, v11  }
0xda: {  	v30 =	vsel vm6, v31, v30  }
0xdb: {  	v40 =	vadd.s32 $0x8, v30  }
0xdc: {  	v39 =	vld.idx.msk [tilespmem:v23+s3+$0x0], $0xffff;
	_ =	sdelay $0x1  }
0xdd: {  	v41 =	vld.idx.msk [tilespmem:v25+s3+$0x0], $0xffff;
	_ =	sdelay $0x1  }
0xde: {  	v42 =	vld.idx.msk [tilespmem:v40+s3+$0x0], $0xffff  }
0xdf: {  	vm7 =	vge.f32 v39, v9  }
0xe0: {  	v22 =	vsel vm7, v23, v22  }
0xe1: {  	v23 =	vadd.s32 $0x4, v22;
	vm8 =	vge.f32 v41, v10  }
0xe2: {  	v20 =	vsel vm8, v25, v20  }
0xe3: {  	v34 =	vld.idx.msk [tilespmem:v21+s3+$0x0], $0xffff;
	v25 =	vadd.s32 $0x4, v20;
	vm9 =	vge.f32 v42, v11  }
0xe4: {  	v30 =	vsel vm9, v40, v30  }
0xe5: {  	v32 =	vadd.s32 $0x4, v30  }
0xe6: {  	v44 =	vld.idx.msk [tilespmem:v23+s3+$0x0], $0xffff;
	_ =	sdelay $0x1  }
0xe7: {  	v43 =	vadd.s32 $0x2, v29;
	vm10 =	vge.f32 v34, v8;
	v46 =	vld.idx.msk [tilespmem:v25+s3+$0x0], $0xffff  }
0xe8: {  	v45 =	vsel vm10, v21, v27  }
0xe9: {  	v47 =	vadd.s32 $0x2, v45;
	v48 =	vld.idx.msk [tilespmem:v32+s3+$0x0], $0xffff  }
0xea: {  	vm12 =	vge.f32 v44, v9  }
0xeb: {  	vm11 =	vge.f32 v28, v4;
	v22 =	vsel vm12, v23, v22  }
0xec: {  	v18 =	vsel vm11, v18, v19;
	v35 =	vld.idx.msk [tilespmem:v43+s3+$0x0], $0xffff;
	v23 =	vadd.s32 $0x2, v22;
	vm14 =	vge.f32 v46, v10  }
0xed: {  	v49 =	vadd.s32 $0x1, v18;
	v20 =	vsel vm14, v25, v20  }
0xee: {  	v51 =	vld.idx.msk [tilespmem:v47+s3+$0x0], $0xffff;
	v25 =	vadd.s32 $0x2, v20;
	vm15 =	vge.f32 v48, v11  }
0xef: {  	v53 =	vsel vm15, v32, v30  }
0xf0: {  	v30 =	vadd.s32 $0x2, v53  }
0xf1: {  	vm13 =	vge.f32 v35, v5;
	v54 =	vld.idx.msk [tilespmem:v23+s3+$0x0], $0xffff  }
0xf2: {  	v52 =	vld.idx.msk [tilespmem:v49+s3+$0x0], $0xffff;
	v29 =	vsel vm13, v43, v29  }
0xf3: {  	vm1 =	vge.f32 v26, v6;
	v50 =	vadd.s32 $0x1, v29;
	vm5 =	vge.f32 v51, v8;
	v57 =	vld.idx.msk [tilespmem:v25+s3+$0x0], $0xffff  }
0xf4: {  	v16 =	vsel vm1, v17, v16;
	v21 =	vsel vm5, v47, v45  }
0xf5: {  	vm4 =	vlt.s32 v16, $0x3E6;
	v58 =	vadd.s32 $0x1, v21;
	v59 =	vld.idx.msk [tilespmem:v30+s3+$0x0], $0xffff  }
0xf6: {  	v16 =	vnsel vm4, $0x3E6, v16;
	vm7 =	vge.f32 v54, v9  }
0xf7: {  	v56 =	vadd.s32 $0x1, v16;
	v60 =	vsel vm7, v23, v22  }
0xf8: {  	vm6 =	vge.f32 v52, v4;
	v55 =	vld.idx.msk [tilespmem:v50+s3+$0x0], $0xffff;
	v23 =	vadd.s32 $0x1, v60;
	vm9 =	vge.f32 v57, v10  }
0xf9: {  	v13 =	vcvt.s32.f32 v13;
	v18 =	vsel vm6, v49, v18;
	v20 =	vsel vm9, v25, v20  }
0xfa: {  	vm0 =	vlt.s32 v18, $0x3E6;
	v36 =	vld.idx.msk [tilespmem:v58+s3+$0x0], $0xffff;
	v25 =	vadd.s32 $0x1, v20;
	vm10 =	vge.f32 v59, v11  }
0xfb: {  	v37 =	vpop (erf);
	v7 =	vsub.f32 v15, v7;
	v61 =	vld.idx.msk [tilespmem:v16+s3+$0x0], $0xffff;
	v18 =	vnsel vm0, $0x3E6, v18;
	v26 =	vsel vm10, v30, v53  }
0xfc: {  	v24 =	vsub.f32 v15, v24;
	v14 =	vmul.f32 v37, v14;
	v62 =	vld.idx.msk [tilespmem:v56+s3+$0x0], $0xffff;
	v30 =	vadd.s32 $0x1, v26  }
0xfd: {  	v12 =	vcvt.s32.f32 v12;
	v63 =	vadd.s32 $0x1, v18;
	vm8 =	vge.f32 v55, v5;
	v38 =	vld.idx.msk [tilespmem:v23+s3+$0x0], $0xffff  }
0xfe: {  	(erf) = vrcp.f32 v24;
	v14 =	vmax.f32 v14, $0.0e+00;
	v27 =	vsel vm8, v50, v29  }
0xff: {  	v14 =	vmin.f32 v14, $1.000000000e+00;
	vm0 =	vlt.s32 v27, $0x3E6;
	vm11 =	vge.f32 v36, v8;
	v41 =	vld.idx.msk [tilespmem:v25+s3+$0x0], $0xffff  }
0x100: {  	v16 =	vcvt.s32.f32 v16;
	v39 =	vld.idx.msk [tilespmem:v18+s3+$0x0], $0xffff;
	v27 =	vnsel vm0, $0x3E6, v27;
	v21 =	vsel vm11, v58, v21  }
0x101: {  	v24 =	vsub.f32 v61, v62;
	v40 =	vadd.s32 $0x1, v27;
	vm0 =	vlt.s32 v21, $0x3E6;
	v44 =	vld.idx.msk [tilespmem:v30+s3+$0x0], $0xffff  }
0x102: {  	v62 =	vadd.f32 $1.000000000e+00, v16;
	v28 =	vld.idx.msk [tilespmem:v63+s3+$0x0], $0xffff;
	v15 =	vnsel vm0, $0x3E6, v21;
	vm12 =	vge.f32 v38, v9  }
0x103: {  	(erf) = vrcp.f32 v24;
	v47 =	vadd.s32 $0x1, v15;
	v19 =	vsel vm12, v23, v60  }
0x104: {  	v45 =	vadd.f32 $1.000000000e+00, v13;
	vm0 =	vlt.s32 v19, $0x3E6;
	vm13 =	vge.f32 v41, v10  }
0x105: {  	v42 =	vsub.f32 $1.000000000e+00, v14;
	v43 =	vld.idx.msk [tilespmem:v27+s3+$0x0], $0xffff;
	v19 =	vnsel vm0, $0x3E6, v19;
	v20 =	vsel vm13, v25, v20  }
0x106: {  	v32 =	vld.idx.msk [tilespmem:v40+s3+$0x0], $0xffff;
	v49 =	vadd.s32 $0x1, v19;
	vm0 =	vlt.s32 v20, $0x3E6;
	vm14 =	vge.f32 v44, v11  }
0x107: {  	v46 =	vpop (erf);
	v28 =	vsub.f32 v39, v28;
	v50 =	vld.idx.msk [tilespmem:v15+s3+$0x0], $0xffff;
	v20 =	vnsel vm0, $0x3E6, v20;
	v52 =	vsel vm14, v30, v26  }
0x108: {  	v7 =	vmul.f32 v46, v7;
	v23 =	vld.idx.msk [tilespmem:v47+s3+$0x0], $0xffff;
	v54 =	vadd.s32 $0x1, v20;
	vm15 =	vlt.s32 v52, $0x3E6  }
0x109: {  	v14 =	vmul.f32 v45, v14;
	(erf) = vrcp.f32 v28;
	v25 =	vnsel vm15, $0x3E6, v52  }
0x10a: {  	v13 =	vmul.f32 v13, v42;
	v7 =	vmax.f32 v7, $0.0e+00;
	v55 =	vld.idx.msk [tilespmem:v19+s3+$0x0], $0xffff;
	v57 =	vadd.s32 $0x1, v25  }
0x10b: {  	v4 =	vsub.f32 v39, v4;
	v7 =	vmin.f32 v7, $1.000000000e+00;
	v51 =	vsub.f32 v43, v32;
	v56 =	vld.idx.msk [tilespmem:v49+s3+$0x0], $0xffff  }
0x10c: {  	v13 =	vadd.f32 v14, v13;
	v58 =	vsub.f32 $1.000000000e+00, v7;
	v15 =	vcvt.s32.f32 v15;
	v59 =	vld.idx.msk [tilespmem:v20+s3+$0x0], $0xffff  }
0x10d: {  	v60 =	vadd.f32 $1.000000000e+00, v12;
	(erf) = vrcp.f32 v51;
	v23 =	vsub.f32 v50, v23;
	v28 =	vld.idx.msk [tilespmem:v54+s3+$0x0], $0xffff  }
0x10e: {  	v5 =	vsub.f32 v43, v5;
	v38 =	vcvt.s32.f32 v27;
	v12 =	vmul.f32 v12, v58;
	v63 =	vld.idx.msk [tilespmem:v25+s3+$0x0], $0xffff  }
0x10f: {  	v48 =	vsub.f32 v61, v6;
	v7 =	vmul.f32 v60, v7;
	v53 =	vpop (erf);
	(erf) = vrcp.f32 v23;
	v22 =	vld.idx.msk [tilespmem:v57+s3+$0x0], $0xffff  }
0x110: {  	v46 =	vadd.f32 $1.000000000e+00, v15;
	v39 =	vsub.f32 v50, v8;
	v32 =	vcvt.s32.f32 v18  }
0x111: {  	v42 =	vadd.f32 $1.000000000e+00, v38;
	v7 =	vadd.f32 v7, v12  }
0x112: {  	v37 =	vadd.f32 $1.000000000e+00, v32;
	v6 =	vmul.f32 v53, v48;
	v31 =	vpop (erf);
	v21 =	vsub.f32 v55, v56  }
0x113: {  	v49 =	vcvt.s32.f32 v19;
	v4 =	vmul.f32 v31, v4;
	v34 =	vsub.f32 v59, v28  }
0x114: {  	v6 =	vmax.f32 v6, $0.0e+00;
	(erf) = vrcp.f32 v21;
	v36 =	vsub.f32 v63, v22  }
0x115: {  	v53 =	vadd.f32 $1.000000000e+00, v49;
	v6 =	vmin.f32 v6, $1.000000000e+00;
	(erf) = vrcp.f32 v34  }
0x116: {  	v4 =	vmax.f32 v4, $0.0e+00;
	v33 =	vpop (erf);
	v61 =	vsub.f32 $1.000000000e+00, v6;
	(erf) = vrcp.f32 v36  }
0x117: {  	v43 =	vsub.f32 v55, v9;
	v4 =	vmin.f32 v4, $1.000000000e+00;
	v5 =	vmul.f32 v33, v5  }
0x118: {  	v6 =	vmul.f32 v62, v6;
	v35 =	vsub.f32 $1.000000000e+00, v4;
	v16 =	vmul.f32 v16, v61;
	v40 =	vpop (erf)  }
0x119: {  	v4 =	vmul.f32 v37, v4;
	v5 =	vmax.f32 v5, $0.0e+00;
	v8 =	vmul.f32 v40, v39  }
0x11a: {  	v12 =	vmul.f32 v32, v35;
	v5 =	vmin.f32 v5, $1.000000000e+00;
	v6 =	vadd.f32 v6, v16  }
0x11b: {  	v41 =	vsub.f32 $1.000000000e+00, v5;
	v5 =	vmul.f32 v42, v5;
	v8 =	vmax.f32 v8, $0.0e+00  }
0x11c: {  	v4 =	vadd.f32 v4, v12;
	v54 =	vcvt.s32.f32 v20;
	v8 =	vmin.f32 v8, $1.000000000e+00  }
0x11d: {  	v14 =	vmul.f32 v38, v41;
	v44 =	vpop (erf);
	v45 =	vsub.f32 $1.000000000e+00, v8;
	v47 =	vsub.f32 v59, v10  }
0x11e: {  	v8 =	vmul.f32 v46, v8;
	v9 =	vmul.f32 v44, v43;
	v50 =	vsub.f32 v63, v11;
	v48 =	vpop (erf)  }
0x11f: {  	v5 =	vadd.f32 v5, v14;
	v55 =	vcvt.s32.f32 v25;
	v10 =	vmul.f32 v48, v47;
	v52 =	vpop (erf)  }
0x120: {  	v12 =	vmul.f32 v15, v45;
	v9 =	vmax.f32 v9, $0.0e+00;
	v11 =	vmul.f32 v52, v50  }
0x121: {  	s14 =	sadd.s32 $0x10, s14;
	v60 =	vadd.f32 $1.000000000e+00, v55;
	v9 =	vmin.f32 v9, $1.000000000e+00;
	v10 =	vmax.f32 v10, $0.0e+00  }
0x122: {  	[tilespmem:s14+$0x0] =	vst v13;
	s14 =	sadd.s32 $0x10, s14;
	v51 =	vsub.f32 $1.000000000e+00, v9;
	v10 =	vmin.f32 v10, $1.000000000e+00;
	v11 =	vmax.f32 v11, $0.0e+00  }
0x123: {  	[tilespmem:s14+$0x0] =	vst v7;
	s14 =	sadd.s32 $0x10, s14;
	v57 =	vadd.f32 $1.000000000e+00, v54;
	v56 =	vsub.f32 $1.000000000e+00, v10;
	v11 =	vmin.f32 v11, $1.000000000e+00  }
0x124: {  	[tilespmem:s14+$0x0] =	vst v6;
	s14 =	sadd.s32 $0x10, s14;
	v58 =	vmul.f32 v53, v9;
	v15 =	vmul.f32 v49, v51;
	v59 =	vsub.f32 $1.000000000e+00, v11  }
0x125: {  	[tilespmem:s14+$0x0] =	vst v4;
	s14 =	sadd.s32 $0x10, s14;
	v4 =	vadd.f32 v8, v12;
	v61 =	vmul.f32 v57, v10;
	v7 =	vmul.f32 v54, v56  }
0x126: {  	[tilespmem:s14+$0x0] =	vst v5;
	s14 =	sadd.s32 $0x10, s14;
	v5 =	vadd.f32 v58, v15;
	v63 =	vmul.f32 v60, v11;
	v62 =	vmul.f32 v55, v59  }
0x127: {  	[tilespmem:s14+$0x0] =	vst v4;
	s14 =	sadd.s32 $0x10, s14;
	v4 =	vadd.f32 v61, v7  }
0x128: {  	s13 =	sadd.s32 $0x1, s13;
	[tilespmem:s14+$0x0] =	vst v5;
	s14 =	sadd.s32 $0x10, s14;
	v5 =	vadd.f32 v63, v62  }
0x129: {  	p0 =	sne.s32 s13, s6;
	[tilespmem:s14+$0x0] =	vst v4;
	s14 =	sadd.s32 $0x10, s14  }
.Ltmp4:
0x12a: {  	[tilespmem:s14+$0x0] =	vst v5;
	(pc) =	sbr.rel @p0 .LBB2_1-.Ltmp4, $4  }
0x12b: {  	[hbm4b:s5+s3] =	stream.linear.scatter [tilespmem:s11], [sflag:$0x3], $0x800, $0x38;
	[tilespmem:$0x1480] =	vst v63  }
0x12c: {  	_ =	swait.ge [sflag:s12], $0x800  }
0x12d: {  	[sflag:s12] =	ssyncset.done $0x0  }
0x12e: {  	[sflag:s12] =	ssyncadd.s32 $0xFFFFF800  }
0x12f: {  	_ =	sfence.sel $0x180000  }
0x130: {  	[bflag:$0x0] =	sbarrier.arrive $0xFFFF  }
0x131: {  	p0 =	sne.s32 s2, $0x0;
	_ =	strace $0x90000047  }
0x132: {  	s0 =	sadd.s32 @!p0 $0x100000, s0;
	[bflag:$0x2] =	sbarrier.arrive $0xFFFF  }
0x133: {  	[sflag:s0] =	ssyncadd.tile.s32 @!p0 $0x1;
	_ =	shalt  }
.Lfunc_end2:
_tile_overlayer_lowered:
.L_overlay_start_2:
0x134: {  	(tag) =	ssettag $0x2  }
0x135: {  	s0 =	rddreg [dreg:$0x0];
	s2 =	stileid.u32  }
0x136: {  	s1 =	rddreg [dreg:$0x1];
	p0 =	sne.s32 s2, $0x0  }
0x137: {  	s3 =	rddreg [dreg:$0x2];
	[bflag:$0x3] =	sbarrier.arrive $0xFFFF;
	s2 =	simm.s32 @!p0 $0x1C03  }
0x138: {  	[timem:s3], [sflag:s2] =	dma.local @!p0 [hbm:s0], s1  }
0x139: {  	s0 =	simm.s32 @!p0 $0x3  }
0x13a: {  	_ =	swait.ge @!p0 [sflag:s0], s1  }
0x13b: {  	s1 =	ssub.s32 @!p0 $0x0, s1;
	[sflag:s0] =	ssyncset.done @!p0 $0x0  }
0x13c: {  	[sflag:s0] =	ssyncadd.s32 @!p0 s1  }
0x13d: {  	[bflag:$0x3] =	sbarrier.arrive $0xFFFF  }
0x13e: {  	_ =	shalt  }

</sc_bundles>
